<compile_context>
chip_gen: v7x
topology: tpu7x:2x2x1
jax: 0.10.2.dev20260603
libtpu: 0.0.44.dev20260713+nightly
codegen_flags: <defaults>
</compile_context>

<pallas_src>
import jax
import jax.numpy as jnp
from jax.experimental import pallas as pl
from jax.experimental.pallas import tpu as pltpu

_ROWS = 640
_COLS = 128 * 128
_BLOCK_ROWS = 80


def _copy_body(in_ref, out_ref):
    out_ref[...] = in_ref[...]


def kernel(pred):
    flat = pred.reshape(_ROWS, _COLS)
    out = pl.pallas_call(
        _copy_body,
        out_shape=jax.ShapeDtypeStruct((_ROWS, _COLS), pred.dtype),
        grid=(_ROWS // _BLOCK_ROWS,),
        in_specs=[pl.BlockSpec((_BLOCK_ROWS, _COLS), lambda i: (i, 0))],
        out_specs=pl.BlockSpec((_BLOCK_ROWS, _COLS), lambda i: (i, 0)),
        compiler_params=pltpu.CompilerParams(
            dimension_semantics=("parallel",),
        ),
    )(flat)
    return out.reshape(pred.shape)

# --- scband reference (transcript-rebuilt; emitter-appended) ---
"""Pipeline reference for scband-dlahead-824633720954 (READ-ONLY COPY).

The authoritative reference and input builder live on the scoring server;
editing this copy changes nothing except your own understanding.
"""

import jax, jax.numpy as jnp
import numpy as np


def setup_inputs(seed: int = 0) -> dict:
    key = jax.random.key(seed)
    pred = jax.random.normal(key, (8, 80, 128, 128), dtype=jnp.float32)
    return {"pred": pred}


def reference(pred):
    # DLAhead.forward is an identity pass-through: `def forward(self, pred): return pred`.
    # All decode / NMS / topk logic lives in non-forward methods (decode, post_process)
    # and is not invoked by forward, so the faithful translation returns pred unchanged.
    return pred

if __name__ == "__main__":
    import jax
    _d = setup_inputs()
    print(jax.jit(kernel)(*tuple(_d.values())))

</pallas_src>

<mosaic_0001>
module attributes {stable_mosaic.version = 14 : i64} {
  func.func @_copy_body(%arg0: i32, %arg1: memref<80x16384xf32, #tpu.memory_space<vmem>>, %arg2: memref<80x16384xf32, #tpu.memory_space<vmem>>) attributes {dimension_semantics = [#tpu.dimension_semantics<parallel>], iteration_bounds = array<i64: 8>, scalar_prefetch = 0 : i64, scratch_operands = 0 : i64, tpu.core_type = #tpu.core_type<tc>, window_params = [{transform_indices = @transform_0, window_bounds = array<i64: 80, 16384>}, {transform_indices = @transform_1, window_bounds = array<i64: 80, 16384>}]} {
    %get3A = arith.constant 0 : index
    %get3A_0 = arith.constant 0 : index
    %get3A_1 = vector.load %arg1[%get3A, %get3A_0] : memref<80x16384xf32, #tpu.memory_space<vmem>>, vector<80x16384xf32>
    %swap3A = arith.constant 0 : index
    %swap3A_2 = arith.constant 0 : index
    %swap3A_3 = vector.load %arg2[%swap3A, %swap3A_2] : memref<80x16384xf32, #tpu.memory_space<vmem>>, vector<80x16384xf32>
    tpu.vector_store %arg2[%swap3A, %swap3A_2], %get3A_1 {strides = array<i32>} : memref<80x16384xf32, #tpu.memory_space<vmem>>, vector<80x16384xf32>,
    return
  }
  func.func @transform_0(%arg0: i32) -> (i32, i32) {
    %c0_i32 = arith.constant 0 : i32
    %c0_i32_0 = arith.constant 0 : i32
    return %arg0, %c0_i32 : i32, i32
  }
  func.func @transform_1(%arg0: i32) -> (i32, i32) {
    %c0_i32 = arith.constant 0 : i32
    %c0_i32_0 = arith.constant 0 : i32
    return %arg0, %c0_i32 : i32, i32
  }
}

</mosaic_0001>

<sc_bundles>
// kernel: sparse-core-data-format-call.1.cloned.1.call-start
scs
called_computation.1_lowered:
.L_overlay_start_0:
0x0: {  	s2 =	sld [smem:$0x3FD9]  }
0x1: {  	s3 =	sld [smem:$0x3FFE];
	_ =	sdelay $0x1  }
0x2: {  	s1 =	srdreg.scid  }
0x3: {  	s0 =	sand.u32 $0x1, s1  }
0x4: {  	s19 =	sshll.u32 s0, $0xA;
	s2 =	sadd.s32 s3, s2  }
0x5: {  	s2 =	sadd.s32 s2, s19  }
0x6: {  	[smem:$0x3FC7] =	sst s2  }
0x7: {  	_ = 	snop  }
0x8: {  	s2 =	sld [smem:$0x3FC9]  }
0x9: {  	s20 =	sld [smem:$0x3FD0];
	(tm) =	ssettm $0x1  }
0xa: {  	s4 =	sld [smem:$0x3FFB];
	_ =	sdelay $0x3  }
0xb: {  	_ =	strace s4  }
0xc: {  	s4 =	sld [smem:$0x3FFC];
	_ =	sdelay $0x3  }
0xd: {  	_ =	strace s4  }
0xe: {  	s4 =	sld [smem:$0x3FFD];
	_ =	sdelay $0x3  }
0xf: {  	_ =	strace s4  }
0x10: {  	_ =	strace $0x8FFFFFFF  }
0x11: {  	s21 =	sld [smem:$0x3FDB];
	_ =	sdelay $0x1  }
0x12: {  	s5 =	simm.s32 $_scs_section_size  }
0x13: {  	s6 =	simm.s32 $_size__tile_overlayer_lowered;
	s7 =	simm.s32 $_tile_overlayer_lowered  }
0x14: {  	s24 =	simm.s32 $0x1BFF;
	s23 =	sshll.u32 s7, $0x1;
	s4 =	sadd.s32 s5, s21  }
0x15: {  	s8 =	simm.s32 $0x0;
	s22 =	sshll.u32 s6, $0x1;
	s6 =	sadd.s32 s23, s4  }
0x16: {  	[timem:s8], [sflag:s24] =	dma.local [hbm:s6], s22  }
0x17: {  	_ =	swait.ge [sflag:s24], s22  }
0x18: {  	s5 =	ssub.s32 $0x0, s22;
	[sflag:s24] =	ssyncset.done $0x0  }
0x19: {  	[sflag:s24] =	ssyncadd.s32 s5;
	_ =	sdelay $0x1  }
0x1a: {  	s25 =	simm.s32 $0x1B8B  }
0x1b: {  	_ =	swait.ge [sflag:s25], $0x1  }
0x1c: {  	[sflag:s25] =	ssyncset.done $0x0  }
0x1d: {  	s26 =	simm.s32 $0x1B8E;
	[sflag:s25] =	ssyncadd.s32 $0xFFFFFFFF  }
0x1e: {  	s27 =	simm.s32 $execute0_lowered;
	[smem:$0x3FD2] =	sst s26  }
0x1f: {  	s5 =	sshll.u32 s27, $0x1;
	_ =	strace $0x80000046;
	[dreg:$0x1] =	wrdreg $0xFFFFFFFF  }
0x20: {  	s28 =	simm.s32 $_size_execute0_lowered;
	s4 =	sadd.s32 s4, s5;
	[dreg:$0x0] =	wrdreg $0x0  }
0x21: {  	s5 =	sshll.u32 s28, $0x1;
	[dreg:$0x2] =	wrdreg s4  }
0x22: {  	[dreg:$0x3] =	wrdreg s5  }
0x23: {  	[dreg:$0x4] =	wrdreg $0xC0  }
0x24: {  	_ =	task [dreg:s8], $0x5FFFF  }
0x25: {  	[dreg:$0x1] =	wrdreg $0xFFFFFFFF  }
0x26: {  	[dreg:$0x0] =	wrdreg $0x60  }
0x27: {  	[dreg:$0x2] =	wrdreg s2  }
0x28: {  	[dreg:$0x3] =	wrdreg s20  }
0x29: {  	[dreg:$0x4] =	wrdreg $0x9  }
0x2a: {  	_ =	task.clear_ibuf [dreg:s8], $0x5FFFF;
	_ =	strace $0x90000046  }
0x2b: {  	s29 =	simm.s32 $0x9;
	_ =	strace $0x80000048  }
0x2c: {  	_ =	swait.ge [sflag:s29], $0x1  }
0x2d: {  	[sflag:s29] =	ssyncadd.s32 $0xFFFFFFFF  }
0x2e: {  	_ =	strace $0x90000048  }
0x2f: {  	_ =	sfence  }
0x30: {  	s30 =	sld [smem:$0x0];
	_ =	sdelay $0x2  }
0x31: {  	s31 =	sshll.u32 s1, $0xD;
	s1 =	sshrl.u32 s1, $0x2  }
0x32: {  	s3 =	sand.u32 $0x4000, s31;
	s1 =	sadd.s32 s1, s30  }
0x33: {  	s0 =	sor.u32 s3, s0;
	s1 =	sshll.u32 s1, $0x11  }
0x34: {  	s0 =	sor.u32 s1, s0  }
0x35: {  	s0 =	sadd.s32 $0x8F2B, s0  }
0x36: {  	[sflag:s0] =	ssyncadd.remote.s32 $0x1  }
0x37: {  	_ =	sfence.sel $0xFFFF  }
0x38: {  	[dreg:$0x0] =	wrdreg $0xFFFFFFFF;
	(pc) =	sbr.abs _section_cstart, $3  }
0x39: {  	[dreg:$0x1] =	wrdreg $0xFFFFFFFF  }
0x3a: {  	_ =	task.clear_ibuf [dreg:s8], $0x2FFFF;
	_ =	strace $0x9FFFFFFF  }
0x3b: {  	(tm) =	ssettm $0x7FFFFFFF  }
tec
execute0_lowered:
.L_overlay_start_1:
0x0: {  	(tag) =	ssettag $0x1  }
0x1: {  	s0 =	srdreg.scid;
	s6 =	rddreg [dreg:$0x0]  }
0x2: {  	s2 =	rddreg [dreg:$0x1];
	s1 =	stileid.u32  }
0x3: {  	s4 =	simm.s32 $0x1;
	s7 =	simm.s32 $0x2;
	s11 =	simm.s32 $0x0  }
0x4: {  	p0 =	por $0x0, $0x0;
	s12 =	simm.s32 $0x0;
	s0 =	sshll.u32 s0, $0x4  }
.Ltmp0:
0x5: {  	s9 =	simm.s32 $0x0;
	s3 =	sand.u32 $0x10, s0;
	(pc) =	sbr.rel .LBB1_1-.Ltmp0, $4  }
0x6: {  	s0 =	rddreg [dreg:$0x2];
	_ =	strace $0x80000047;
	s3 =	sor.u32 s1, s3  }
0x7: {  	s5 =	sand.u32 $0x3, s1;
	[sflag:s4] =	ssyncpa.u1 $0x0;
	s3 =	sshrl.u32 s3, $0x2  }
0x8: {  	s10 =	smov.u32 s5;
	[sflag:s7] =	ssyncpa.u1 $0x0;
	s8 =	sshll.u32 s3, $0xB  }
0x9: {  	s7 =	simm.s32 $0x80;
	s6 =	sadd.s32 s6, s8;
	s8 =	simm.s32 $0x400  }
.LBB1_5:
0xa: {  	s13 =	sadd.s32 $0x4, s10  }
0xb: {  	p1 =	slt.u32 s9, $0x2;
	s9 =	sadd.s32 $0x1, s9;
	p2 =	sgt.s32 s13, $0x4F  }
0xc: {  	s13 =	smov.u32 @p2 s5;
	p2 =	sne.s32 s9, $0x16  }
.Ltmp1:
0xd: {  	_ = 	snop;
	(pc) =	sbr.rel @!p2 .LBB1_6-.Ltmp1, $4  }
0xe: {  	s11 =	simm.s32 @!p1 $0x2  }
0xf: {  	_ =	swait.ge @!p1 [sflag:s11], $0x4000  }
0x10: {  	s12 =	smov.u32 s10;
	p0 =	por !p0, !p0;
	[sflag:s11] =	ssyncset.done @!p1 $0x0  }
0x11: {  	s10 =	smov.u32 s13;
	[sflag:s11] =	ssyncadd.s32 @!p1 $0xFFFFC000;
	s11 =	smov.u32 s3  }
.LBB1_1:
0x12: {  	p1 =	sgt.u32 s9, $0x13  }
0x13: {  	s13 =	sxor.u32 @!p1 $0xFFFFFFFF, s9  }
0x14: {  	s14 =	sshll.u32 @!p1 s10, $0xE;
	s13 =	sshll.u32 @!p1 s13, $0xE  }
0x15: {  	s15 =	simm.s32 @!p1 $0x0;
	s14 =	sadd.s32 @!p1 s14, s6;
	s13 =	sand.u32 @!p1 $0x4000, s13  }
0x16: {  	[tilespmem:s13], [sflag:$0x1] =	stream.linear.gather @!p1 [hbm4b:s14+s15], $0x4000, $0x38;
	[tilespmem:$0x10000] =	vst v63  }
0x17: {  	p1 =	seq.s32 s9, $0x0  }
0x18: {  	p2 =	seq.s32 @!p1 s9, $0x15  }
0x19: {  	p1 =	por p1, p2  }
.Ltmp2:
0x1a: {  	_ = 	snop;
	(pc) =	sbr.rel @p1 .LBB1_5-.Ltmp2, $1  }
0x1b: {  	_ =	sdelay $0x3  }
0x1c: {  	s13 =	simm.s32 $0x1  }
0x1d: {  	s13 =	simm.s32 @!p0 $0x0  }
0x1e: {  	s13 =	sshll.u32 s13, $0xE  }
0x1f: {  	s14 =	sor.u32 $0x40, s13  }
0x20: {  	v1 =	vmov s14;
	_ =	sdelay $0x1  }
0x21: {  	_ =	swait.ge [sflag:s4], $0x4000  }
0x22: {  	[sflag:s4] =	ssyncset.done $0x0  }
0x23: {  	[sflag:s4] =	ssyncadd.s32 $0xFFFFC000;
	s14 =	simm.s32 $0x0  }
0x24: {  	s13 =	sor.u32 $0x8070, s13;
	v7 =	vld.idx.msk [tilespmem:v1+s14+$0x30 ss:$0x1], $0xffff  }
0x25: {  	v0 =	vmov s13;
	v8 =	vld.idx.msk [tilespmem:v1+s14+$0xFFFFFFC0 ss:$0x1], $0xffff  }
0x26: {  	v6 =	vld.idx.msk [tilespmem:v1+s14+$0xFFFFFFD0 ss:$0x1], $0xffff  }
0x27: {  	v4 =	vld.idx.msk [tilespmem:v1+s14+$0xFFFFFFE0 ss:$0x1], $0xffff  }
0x28: {  	v2 =	vld.idx.msk [tilespmem:v1+s14+$0xFFFFFFF0 ss:$0x1], $0xffff  }
0x29: {  	s31 =	sshll.u32 s9, $0xE;
	v3 =	vld.idx.msk [tilespmem:v1+s14+$0x0 ss:$0x1], $0xffff  }
0x2a: {  	s13 =	sand.u32 $0x4000, s31;
	v5 =	vld.idx.msk [tilespmem:v1+s14+$0x10 ss:$0x1], $0xffff;
	[tilespmem:v0+s14+$0x0 ss:$0x1] =	vst.idx.msk $0xffff, v7  }
0x2b: {  	s15 =	simm.s32 $0x80;
	s16 =	simm.s32 $0x400;
	s13 =	sor.u32 $0x8000, s13;
	[tilespmem:v0+s14+$0xFFFFFF90 ss:$0x1] =	vst.idx.msk $0xffff, v8;
	v7 =	vld.idx.msk [tilespmem:v1+s14+$0x20 ss:$0x1], $0xffff  }
.LBB1_3:
0x2c: {  	p1 =	sne.s32 s16, $0xFE00;
	v8 =	vld.idx.msk [tilespmem:v1+s15+$0x30 ss:$0x1], $0xffff;
	[tilespmem:v0+s14+$0xFFFFFFA0 ss:$0x1] =	vst.idx.msk $0xffff, v6  }
0x2d: {  	v9 =	vld.idx.msk [tilespmem:v1+s15+$0xFFFFFFC0 ss:$0x1], $0xffff;
	[tilespmem:v0+s14+$0xFFFFFFB0 ss:$0x1] =	vst.idx.msk $0xffff, v4  }
0x2e: {  	v6 =	vld.idx.msk [tilespmem:v1+s15+$0xFFFFFFD0 ss:$0x1], $0xffff;
	[tilespmem:v0+s14+$0xFFFFFFC0 ss:$0x1] =	vst.idx.msk $0xffff, v2  }
.Ltmp3:
0x2f: {  	v4 =	vld.idx.msk [tilespmem:v1+s15+$0xFFFFFFE0 ss:$0x1], $0xffff;
	[tilespmem:v0+s14+$0xFFFFFFD0 ss:$0x1] =	vst.idx.msk $0xffff, v3;
	(pc) =	sbr.rel @p1 .LBB1_3-.Ltmp3, $4  }
0x30: {  	v2 =	vld.idx.msk [tilespmem:v1+s15+$0xFFFFFFF0 ss:$0x1], $0xffff;
	[tilespmem:v0+s14+$0xFFFFFFE0 ss:$0x1] =	vst.idx.msk $0xffff, v5  }
0x31: {  	v3 =	vld.idx.msk [tilespmem:v1+s15+$0x0 ss:$0x1], $0xffff;
	[tilespmem:v0+s14+$0xFFFFFFF0 ss:$0x1] =	vst.idx.msk $0xffff, v7;
	s14 =	smov.u32 s15  }
0x32: {  	v5 =	vld.idx.msk [tilespmem:v1+s14+$0x10 ss:$0x1], $0xffff;
	[tilespmem:v0+s14+$0x0 ss:$0x1] =	vst.idx.msk $0xffff, v8  }
0x33: {  	s15 =	sshra.s32 s16, $0x2;
	s16 =	sadd.s32 $0x200, s16;
	[tilespmem:v0+s14+$0xFFFFFF90 ss:$0x1] =	vst.idx.msk $0xffff, v9;
	v7 =	vld.idx.msk [tilespmem:v1+s14+$0x20 ss:$0x1], $0xffff  }
0x34: {  	_ =	sdelay $0x3  }
0x35: {  	[tilespmem:v0+s14+$0xFFFFFFA0 ss:$0x1] =	vst.idx.msk $0xffff, v6  }
0x36: {  	v56 =	vld.idx.msk [tilespmem:v1+s15+$0x30 ss:$0x1], $0xffff;
	[tilespmem:v0+s14+$0xFFFFFFB0 ss:$0x1] =	vst.idx.msk $0xffff, v4  }
0x37: {  	v57 =	vld.idx.msk [tilespmem:v1+s15+$0xFFFFFFC0 ss:$0x1], $0xffff;
	[tilespmem:v0+s14+$0xFFFFFFC0 ss:$0x1] =	vst.idx.msk $0xffff, v2  }
0x38: {  	v58 =	vld.idx.msk [tilespmem:v1+s15+$0xFFFFFFD0 ss:$0x1], $0xffff;
	[tilespmem:v0+s14+$0xFFFFFFD0 ss:$0x1] =	vst.idx.msk $0xffff, v3  }
0x39: {  	v59 =	vld.idx.msk [tilespmem:v1+s15+$0xFFFFFFE0 ss:$0x1], $0xffff;
	[tilespmem:v0+s14+$0xFFFFFFE0 ss:$0x1] =	vst.idx.msk $0xffff, v5  }
0x3a: {  	v60 =	vld.idx.msk [tilespmem:v1+s15+$0xFFFFFFF0 ss:$0x1], $0xffff;
	[tilespmem:v0+s14+$0xFFFFFFF0 ss:$0x1] =	vst.idx.msk $0xffff, v7  }
0x3b: {  	v61 =	vld.idx.msk [tilespmem:v1+s15+$0x0 ss:$0x1], $0xffff;
	[tilespmem:v0+s15+$0x0 ss:$0x1] =	vst.idx.msk $0xffff, v56  }
0x3c: {  	v62 =	vld.idx.msk [tilespmem:v1+s15+$0x10 ss:$0x1], $0xffff;
	[tilespmem:v0+s15+$0xFFFFFF90 ss:$0x1] =	vst.idx.msk $0xffff, v57  }
0x3d: {  	v63 =	vld.idx.msk [tilespmem:v1+s15+$0x20 ss:$0x1], $0xffff;
	[tilespmem:v0+s15+$0xFFFFFFA0 ss:$0x1] =	vst.idx.msk $0xffff, v58  }
0x3e: {  	[tilespmem:v0+s15+$0xFFFFFFB0 ss:$0x1] =	vst.idx.msk $0xffff, v59  }
.Ltmp4:
0x3f: {  	[tilespmem:v0+s15+$0xFFFFFFC0 ss:$0x1] =	vst.idx.msk $0xffff, v60;
	(pc) =	sbr.rel .LBB1_5-.Ltmp4, $4  }
0x40: {  	s12 =	sshll.u32 s12, $0xE;
	s11 =	sshll.u32 s11, $0x4;
	[tilespmem:v0+s15+$0xFFFFFFD0 ss:$0x1] =	vst.idx.msk $0xffff, v61  }
0x41: {  	s11 =	sand.u32 $0x70, s11;
	s12 =	sadd.s32 s2, s12;
	[tilespmem:v0+s15+$0xFFFFFFE0 ss:$0x1] =	vst.idx.msk $0xffff, v62  }
0x42: {  	s11 =	sadd.s32 s11, s12;
	[tilespmem:v0+s15+$0xFFFFFFF0 ss:$0x1] =	vst.idx.msk $0xffff, v63  }
0x43: {  	[hbm4b:s11+s7] =	stream.strided.scatter [tilespmem:s13], [sflag:$0x2], $0x4000, s8, s7, $0x38;
	[tilespmem:$0x10000] =	vst v63  }
.LBB1_6:
0x44: {  	_ =	sfence.sel $0x180000  }
0x45: {  	s2 =	simm.s32 $0x1;
	[bflag:$0x0] =	sbarrier.arrive $0xFFFF  }
0x46: {  	s31 =	simm.s32 $0x2;
	[sflag:s2] =	ssyncpa.u1 $0x1  }
0x47: {  	[sflag:s31] =	ssyncpa.u1 $0x1  }
0x48: {  	p0 =	sne.s32 s1, $0x0;
	_ =	strace $0x90000047  }
0x49: {  	s0 =	sadd.s32 @!p0 $0x100000, s0;
	[bflag:$0x2] =	sbarrier.arrive $0xFFFF  }
0x4a: {  	[sflag:s0] =	ssyncadd.tile.s32 @!p0 $0x1;
	_ =	shalt  }
.Lfunc_end1:
_tile_overlayer_lowered:
.L_overlay_start_2:
0x4b: {  	(tag) =	ssettag $0x2  }
0x4c: {  	s0 =	rddreg [dreg:$0x0];
	s2 =	stileid.u32  }
0x4d: {  	s1 =	rddreg [dreg:$0x1];
	p0 =	sne.s32 s2, $0x0  }
0x4e: {  	s3 =	rddreg [dreg:$0x2];
	[bflag:$0x3] =	sbarrier.arrive $0xFFFF;
	s2 =	simm.s32 @!p0 $0x1C01  }
0x4f: {  	[timem:s3], [sflag:s2] =	dma.local @!p0 [hbm:s0], s1  }
0x50: {  	s0 =	simm.s32 @!p0 $0x1  }
0x51: {  	_ =	swait.ge @!p0 [sflag:s0], s1  }
0x52: {  	s1 =	ssub.s32 @!p0 $0x0, s1;
	[sflag:s0] =	ssyncset.done @!p0 $0x0  }
0x53: {  	[sflag:s0] =	ssyncadd.s32 @!p0 s1  }
0x54: {  	[bflag:$0x3] =	sbarrier.arrive $0xFFFF  }
0x55: {  	_ =	shalt  }

// kernel: sparse-core-data-format-call.cloned.1.call-start
scs
called_computation_lowered:
.L_overlay_start_0:
0x0: {  	s2 =	sld [smem:$0x3FD9]  }
0x1: {  	s3 =	sld [smem:$0x3FFE];
	_ =	sdelay $0x1  }
0x2: {  	s1 =	srdreg.scid  }
0x3: {  	s0 =	sand.u32 $0x1, s1  }
0x4: {  	s18 =	sshll.u32 s0, $0xA;
	s2 =	sadd.s32 s3, s2  }
0x5: {  	s2 =	sadd.s32 s2, s18  }
0x6: {  	[smem:$0x3FC7] =	sst s2  }
0x7: {  	_ = 	snop  }
0x8: {  	s2 =	sld [smem:$0x3FD0];
	(tm) =	ssettm $0x1  }
0x9: {  	s19 =	sld [smem:$0x3FFB];
	_ =	sdelay $0x3  }
0xa: {  	_ =	strace s19  }
0xb: {  	s3 =	sld [smem:$0x3FFC];
	_ =	sdelay $0x3  }
0xc: {  	_ =	strace s3  }
0xd: {  	s3 =	sld [smem:$0x3FFD];
	_ =	sdelay $0x3  }
0xe: {  	_ =	strace s3  }
0xf: {  	_ =	strace $0x8FFFFFFF  }
0x10: {  	s20 =	sld [smem:$0x3FDB];
	_ =	sdelay $0x1  }
0x11: {  	s4 =	simm.s32 $_scs_section_size  }
0x12: {  	s5 =	simm.s32 $_size__tile_overlayer_lowered;
	s6 =	simm.s32 $_tile_overlayer_lowered  }
0x13: {  	s23 =	simm.s32 $0x1BFF;
	s22 =	sshll.u32 s6, $0x1;
	s3 =	sadd.s32 s4, s20  }
0x14: {  	s7 =	simm.s32 $0x0;
	s21 =	sshll.u32 s5, $0x1;
	s5 =	sadd.s32 s22, s3  }
0x15: {  	[timem:s7], [sflag:s23] =	dma.local [hbm:s5], s21  }
0x16: {  	_ =	swait.ge [sflag:s23], s21  }
0x17: {  	s4 =	ssub.s32 $0x0, s21;
	[sflag:s23] =	ssyncset.done $0x0  }
0x18: {  	[sflag:s23] =	ssyncadd.s32 s4;
	_ =	sdelay $0x1  }
0x19: {  	s24 =	simm.s32 $0x1B8B  }
0x1a: {  	_ =	swait.ge [sflag:s24], $0x1  }
0x1b: {  	[sflag:s24] =	ssyncset.done $0x0  }
0x1c: {  	s26 =	simm.s32 $0x1B8E;
	s25 =	sld [smem:$0x3FFE];
	[sflag:s24] =	ssyncadd.s32 $0xFFFFFFFF  }
0x1d: {  	s27 =	simm.s32 $execute0_lowered;
	[smem:$0x3FD2] =	sst s26  }
0x1e: {  	s5 =	sshll.u32 s27, $0x1;
	_ =	strace $0x80000049;
	[dreg:$0x1] =	wrdreg $0xFFFFFFFF  }
0x1f: {  	s28 =	simm.s32 $_size_execute0_lowered;
	s3 =	sadd.s32 s3, s5;
	[dreg:$0x0] =	wrdreg $0x0  }
0x20: {  	s5 =	sshll.u32 s28, $0x1;
	[dreg:$0x2] =	wrdreg s3  }
0x21: {  	[dreg:$0x3] =	wrdreg s5  }
0x22: {  	[dreg:$0x4] =	wrdreg $0xC0  }
0x23: {  	_ =	task [dreg:s7], $0x5FFFF  }
0x24: {  	[dreg:$0x1] =	wrdreg $0xFFFFFFFF  }
0x25: {  	[dreg:$0x0] =	wrdreg $0x60  }
0x26: {  	[dreg:$0x2] =	wrdreg s25  }
0x27: {  	[dreg:$0x3] =	wrdreg s2  }
0x28: {  	[dreg:$0x4] =	wrdreg $0x9  }
0x29: {  	_ =	task.clear_ibuf [dreg:s7], $0x5FFFF;
	_ =	strace $0x90000049  }
0x2a: {  	s29 =	simm.s32 $0x9;
	_ =	strace $0x8000004B  }
0x2b: {  	_ =	swait.ge [sflag:s29], $0x1  }
0x2c: {  	[sflag:s29] =	ssyncadd.s32 $0xFFFFFFFF  }
0x2d: {  	_ =	strace $0x9000004B  }
0x2e: {  	_ =	sfence  }
0x2f: {  	s30 =	sld [smem:$0x0];
	_ =	sdelay $0x2  }
0x30: {  	s31 =	sshll.u32 s1, $0xD;
	s1 =	sshrl.u32 s1, $0x2  }
0x31: {  	s3 =	sand.u32 $0x4000, s31;
	s1 =	sadd.s32 s1, s30  }
0x32: {  	s0 =	sor.u32 s3, s0;
	s1 =	sshll.u32 s1, $0x11  }
0x33: {  	s0 =	sor.u32 s1, s0  }
0x34: {  	s0 =	sadd.s32 $0x8F2B, s0  }
0x35: {  	[sflag:s0] =	ssyncadd.remote.s32 $0x1  }
0x36: {  	_ =	sfence.sel $0xFFFF  }
0x37: {  	[dreg:$0x0] =	wrdreg $0xFFFFFFFF;
	(pc) =	sbr.abs _section_cstart, $3  }
0x38: {  	[dreg:$0x1] =	wrdreg $0xFFFFFFFF  }
0x39: {  	_ =	task.clear_ibuf [dreg:s7], $0x2FFFF;
	_ =	strace $0x9FFFFFFF  }
0x3a: {  	(tm) =	ssettm $0x7FFFFFFF  }
0x3b: {  	_ =	shalt  }
tec
execute0_lowered:
.L_overlay_start_1:
0x0: {  	(tag) =	ssettag $0x1  }
0x1: {  	s0 =	stileid.u32;
	s1 =	srdreg.scid  }
0x2: {  	s5 =	rddreg [dreg:$0x0];
	s2 =	sshll.u32 s0, $0x2;
	s1 =	sshll.u32 s1, $0x6  }
0x3: {  	s3 =	rddreg [dreg:$0x1];
	s6 =	simm.s32 $0x1;
	s1 =	sor.u32 s2, s1  }
0x4: {  	s8 =	simm.s32 $0x2;
	s14 =	simm.s32 $0x0;
	s2 =	sand.u32 $0x70, s1  }
0x5: {  	s9 =	simm.s32 $0x800;
	s10 =	simm.s32 $0x4000;
	s4 =	ssub.s32 $0x80, s2  }
0x6: {  	s11 =	simm.s32 $0x0;
	s15 =	simm.s32 $0x0;
	s31 =	sand.u32 $0x70, s4  }
0x7: {  	s13 =	simm.s32 $0x0;
	s1 =	rddreg [dreg:$0x2];
	p0 =	sne.s32 s31, $0x0  }
.Ltmp0:
0x8: {  	s4 =	sshrl.u32 s4, $0x7;
	s6 =	simm.s32 @!p0 $0x0;
	(pc) =	sbr.rel .LBB1_1-.Ltmp0, $4  }
0x9: {  	_ =	strace $0x8000004A;
	s7 =	sshll.u32 s2, $0x7;
	s6 =	sadd.s32 s6, s4  }
0xa: {  	s7 =	sadd.s32 s7, s5;
	s4 =	simm.s32 $0x1;
	s5 =	smul.u32 $0x14, s6  }
0xb: {  	s7 =	sadd.s32 $0x800, s7;
	s6 =	sand.u32 $0x3, s0;
	[sflag:s4] =	ssyncpa.u1 $0x0  }
0xc: {  	[sflag:s8] =	ssyncpa.u1 $0x0;
	s12 =	smov.u32 s6;
	s8 =	sor.u32 $0x1, s5  }
.LBB1_7:
0xd: {  	s16 =	sadd.s32 $0x4, s12  }
0xe: {  	p1 =	sgt.s32 s16, $0x4F  }
0xf: {  	s16 =	smov.u32 @p1 s6;
	p1 =	sne.s32 s13, s8  }
.Ltmp1:
0x10: {  	p0 =	slt.u32 s13, $0x2;
	(pc) =	sbr.rel @!p1 .LBB1_8-.Ltmp1, $4  }
0x11: {  	s14 =	simm.s32 @!p0 $0x2  }
0x12: {  	s17 =	sadd.s32 $0x1, s13;
	s15 =	smov.u32 s12;
	_ =	swait.ge @!p0 [sflag:s14], $0x4000  }
0x13: {  	s11 =	sadd.s32 $0x4000, s11;
	s13 =	smov.u32 s17;
	[sflag:s14] =	ssyncset.done @!p0 $0x0  }
0x14: {  	s12 =	smov.u32 s16;
	[sflag:s14] =	ssyncadd.s32 @!p0 $0xFFFFC000;
	s14 =	smov.u32 s2  }
.LBB1_1:
0x15: {  	p0 =	sge.u32 s13, s5  }
0x16: {  	s16 =	sxor.u32 @!p0 $0xFFFFFFFF, s13  }
0x17: {  	s31 =	sadd.s32 $0xFFFFFFFF, s13;
	s17 =	sshll.u32 @!p0 s12, $0xE;
	s16 =	sshll.u32 @!p0 s16, $0xE  }
0x18: {  	s18 =	simm.s32 @!p0 $0x0;
	s17 =	sadd.s32 @!p0 s17, s7;
	s16 =	sand.u32 @!p0 $0x4000, s16  }
0x19: {  	[tilespmem:s16], [sflag:$0x1] =	stream.linear.gather @!p0 [hbm4b:s17+s18], $0x4000, $0x38;
	[tilespmem:$0x10000] =	vst v63  }
0x1a: {  	p0 =	sge.u32 s31, s5  }
.Ltmp2:
0x1b: {  	_ = 	snop;
	(pc) =	sbr.rel @p0 .LBB1_7-.Ltmp2, $1  }
0x1c: {  	_ =	sdelay $0x3  }
0x1d: {  	s17 =	sand.u32 $0x4000, s11  }
0x1e: {  	_ =	swait.ge [sflag:s4], $0x4000;
	s19 =	sshll.u32 s13, $0xE;
	s16 =	sor.u32 $0x8040, s17  }
0x1f: {  	s18 =	sor.u32 $0x40, s17;
	[sflag:s4] =	ssyncset.done $0x0;
	s31 =	sand.u32 $0x4000, s19  }
0x20: {  	s19 =	simm.s32 $0x0;
	[sflag:s4] =	ssyncadd.s32 $0xFFFFC000;
	s17 =	sor.u32 $0x8000, s31  }
.LBB1_3:
0x21: {  	v0 =	vmov s18;
	_ =	sdelay $0x3  }
0x22: {  	s21 =	simm.s32 $0x0  }
0x23: {  	v6 =	vld.idx.msk [tilespmem:v0+s21+$0x30 ss:$0x1], $0xffff  }
0x24: {  	v7 =	vld.idx.msk [tilespmem:v0+s21+$0xFFFFFFC0 ss:$0x1], $0xffff  }
0x25: {  	v5 =	vld.idx.msk [tilespmem:v0+s21+$0xFFFFFFD0 ss:$0x1], $0xffff  }
0x26: {  	v4 =	vld.idx.msk [tilespmem:v0+s21+$0xFFFFFFE0 ss:$0x1], $0xffff  }
0x27: {  	v3 =	vld.idx.msk [tilespmem:v0+s21+$0xFFFFFFF0 ss:$0x1], $0xffff  }
0x28: {  	v1 =	vld.idx.msk [tilespmem:v0+s21+$0x0 ss:$0x1], $0xffff  }
0x29: {  	v2 =	vld.idx.msk [tilespmem:v0+s21+$0x10 ss:$0x1], $0xffff;
	[tilespmem:s16+$0x30] =	vst v6  }
0x2a: {  	s20 =	simm.s32 $0x80;
	s22 =	simm.s32 $0x400;
	[tilespmem:s16+$0xFFFFFFC0] =	vst v7;
	v6 =	vld.idx.msk [tilespmem:v0+s21+$0x20 ss:$0x1], $0xffff;
	s21 =	smov.u32 s16  }
.LBB1_4:
0x2b: {  	p0 =	sne.s32 s22, $0xE00;
	v7 =	vld.idx.msk [tilespmem:v0+s20+$0x30 ss:$0x1], $0xffff;
	[tilespmem:s21+$0xFFFFFFD0] =	vst v5  }
0x2c: {  	v8 =	vld.idx.msk [tilespmem:v0+s20+$0xFFFFFFC0 ss:$0x1], $0xffff;
	[tilespmem:s21+$0xFFFFFFE0] =	vst v4  }
0x2d: {  	v5 =	vld.idx.msk [tilespmem:v0+s20+$0xFFFFFFD0 ss:$0x1], $0xffff;
	[tilespmem:s21+$0xFFFFFFF0] =	vst v3  }
.Ltmp3:
0x2e: {  	v4 =	vld.idx.msk [tilespmem:v0+s20+$0xFFFFFFE0 ss:$0x1], $0xffff;
	[tilespmem:s21+$0x0] =	vst v1;
	(pc) =	sbr.rel @p0 .LBB1_4-.Ltmp3, $4  }
0x2f: {  	v3 =	vld.idx.msk [tilespmem:v0+s20+$0xFFFFFFF0 ss:$0x1], $0xffff;
	[tilespmem:s21+$0x10] =	vst v2  }
0x30: {  	v1 =	vld.idx.msk [tilespmem:v0+s20+$0x0 ss:$0x1], $0xffff;
	[tilespmem:s21+$0x20] =	vst v6;
	s21 =	sadd.s32 $0x800, s21  }
0x31: {  	v2 =	vld.idx.msk [tilespmem:v0+s20+$0x10 ss:$0x1], $0xffff;
	[tilespmem:s21+$0x30] =	vst v7  }
0x32: {  	[tilespmem:s21+$0xFFFFFFC0] =	vst v8;
	v6 =	vld.idx.msk [tilespmem:v0+s20+$0x20 ss:$0x1], $0xffff;
	s20 =	sshra.s32 s22, $0x2;
	s22 =	sadd.s32 $0x200, s22  }
0x33: {  	_ =	sdelay $0x2  }
0x34: {  	[tilespmem:s21+$0xFFFFFFD0] =	vst v5  }
0x35: {  	v56 =	vld.idx.msk [tilespmem:v0+s20+$0x30 ss:$0x1], $0xffff;
	[tilespmem:s21+$0xFFFFFFE0] =	vst v4  }
0x36: {  	v57 =	vld.idx.msk [tilespmem:v0+s20+$0xFFFFFFC0 ss:$0x1], $0xffff;
	[tilespmem:s21+$0xFFFFFFF0] =	vst v3  }
0x37: {  	v58 =	vld.idx.msk [tilespmem:v0+s20+$0xFFFFFFD0 ss:$0x1], $0xffff;
	[tilespmem:s21+$0x0] =	vst v1  }
0x38: {  	v59 =	vld.idx.msk [tilespmem:v0+s20+$0xFFFFFFE0 ss:$0x1], $0xffff;
	[tilespmem:s21+$0x10] =	vst v2  }
0x39: {  	v60 =	vld.idx.msk [tilespmem:v0+s20+$0xFFFFFFF0 ss:$0x1], $0xffff;
	s31 =	sadd.s32 $0x800, s21;
	[tilespmem:s21+$0x20] =	vst v6  }
0x3a: {  	v61 =	vld.idx.msk [tilespmem:v0+s20+$0x0 ss:$0x1], $0xffff;
	[tilespmem:s31+$0x30] =	vst v56  }
0x3b: {  	v62 =	vld.idx.msk [tilespmem:v0+s20+$0x10 ss:$0x1], $0xffff;
	s19 =	sadd.s32 $0x1, s19;
	[tilespmem:s31+$0xFFFFFFC0] =	vst v57  }
0x3c: {  	v63 =	vld.idx.msk [tilespmem:v0+s20+$0x20 ss:$0x1], $0xffff;
	p0 =	sne.s32 s19, $0x10;
	[tilespmem:s31+$0xFFFFFFD0] =	vst v58  }
.Ltmp4:
0x3d: {  	[tilespmem:s31+$0xFFFFFFE0] =	vst v59;
	(pc) =	sbr.rel @p0 .LBB1_3-.Ltmp4, $4  }
0x3e: {  	[tilespmem:s31+$0xFFFFFFF0] =	vst v60  }
0x3f: {  	[tilespmem:s31+$0x0] =	vst v61  }
0x40: {  	[tilespmem:s31+$0x10] =	vst v62  }
0x41: {  	s16 =	sadd.s32 $0x80, s16;
	s18 =	sadd.s32 $0x400, s18;
	[tilespmem:s31+$0x20] =	vst v63  }
.Ltmp5:
0x42: {  	(pc) =	sbr.rel .LBB1_7-.Ltmp5, $4  }
0x43: {  	s15 =	sshll.u32 s15, $0xE  }
0x44: {  	s14 =	sshll.u32 s14, $0x4;
	s15 =	sadd.s32 s3, s15  }
0x45: {  	s14 =	sadd.s32 s14, s15  }
0x46: {  	[hbm4b:s14+s9] =	stream.strided.scatter [tilespmem:s17], [sflag:$0x2], $0x4000, s10, s9, $0x38;
	[tilespmem:$0x10000] =	vst v63  }
.LBB1_8:
0x47: {  	_ =	sfence.sel $0x180000  }
0x48: {  	s2 =	simm.s32 $0x1;
	[bflag:$0x0] =	sbarrier.arrive $0xFFFF  }
0x49: {  	s31 =	simm.s32 $0x2;
	[sflag:s2] =	ssyncpa.u1 $0x1  }
0x4a: {  	[sflag:s31] =	ssyncpa.u1 $0x1  }
0x4b: {  	p0 =	sne.s32 s0, $0x0;
	_ =	strace $0x9000004A  }
0x4c: {  	s0 =	sadd.s32 @!p0 $0x100000, s1;
	[bflag:$0x2] =	sbarrier.arrive $0xFFFF  }
0x4d: {  	[sflag:s0] =	ssyncadd.tile.s32 @!p0 $0x1;
	_ =	shalt  }
.Lfunc_end1:
_tile_overlayer_lowered:
.L_overlay_start_2:
0x4e: {  	(tag) =	ssettag $0x2  }
0x4f: {  	s0 =	rddreg [dreg:$0x0];
	s2 =	stileid.u32  }
0x50: {  	s1 =	rddreg [dreg:$0x1];
	p0 =	sne.s32 s2, $0x0  }
0x51: {  	s3 =	rddreg [dreg:$0x2];
	[bflag:$0x3] =	sbarrier.arrive $0xFFFF;
	s2 =	simm.s32 @!p0 $0x1C01  }
0x52: {  	[timem:s3], [sflag:s2] =	dma.local @!p0 [hbm:s0], s1  }
0x53: {  	s0 =	simm.s32 @!p0 $0x1  }
0x54: {  	_ =	swait.ge @!p0 [sflag:s0], s1  }
0x55: {  	s1 =	ssub.s32 @!p0 $0x0, s1;
	[sflag:s0] =	ssyncset.done @!p0 $0x0  }
0x56: {  	[sflag:s0] =	ssyncadd.s32 @!p0 s1  }
0x57: {  	[bflag:$0x3] =	sbarrier.arrive $0xFFFF  }
0x58: {  	_ =	shalt  }

</sc_bundles>
